<compile_context>
chip_gen: v7x
topology: tpu7x:2x2x1
jax: 0.10.2.dev20260603
libtpu: 0.0.44.dev20260713+nightly
codegen_flags: <defaults>
</compile_context>

<pallas_src>
import functools

import jax
import jax.numpy as jnp
from jax import lax
from jax.experimental import pallas as pl
from jax.experimental.pallas import tpu as pltpu
from jax.experimental.pallas import tpu_sc as plsc

_ROWS = 100000
_EMBED = 64


_TC_BLK = 10000


def _tc_copy_kernel(x_in, x_out):
    x_out[...] = x_in[...]


def _tc_copy(x):
    spec = pl.BlockSpec((_TC_BLK, _EMBED), lambda n: (n, 0))
    return pl.pallas_call(
        _tc_copy_kernel,
        grid=(_ROWS // _TC_BLK,),
        out_shape=jax.ShapeDtypeStruct(x.shape, x.dtype),
        in_specs=[spec],
        out_specs=spec,
    )(x)



_NW = 32
_CHUNK = 400
_NCHUNK = _ROWS // _CHUNK
_FULL_ROUNDS = _NCHUNK // _NW
_TAIL = _NCHUNK - _FULL_ROUNDS * _NW


@functools.partial(
    pl.kernel,
    out_type=jax.ShapeDtypeStruct((_ROWS, _EMBED), jnp.float32),
    mesh=plsc.VectorSubcoreMesh(core_axis_name="c", subcore_axis_name="s"),
    scratch_types=[
        pltpu.VMEM((_CHUNK, _EMBED), jnp.float32),
        pltpu.VMEM((_CHUNK, _EMBED), jnp.float32),
        pltpu.SemaphoreType.DMA,
        pltpu.SemaphoreType.DMA,
        pltpu.SemaphoreType.DMA,
        pltpu.SemaphoreType.DMA,
    ],
)
def _sc_copy(x_in, x_out, buf0, buf1, gs0, gs1, ss0, ss1):
    wid = lax.axis_index("s") * 2 + lax.axis_index("c")
    bufs = (buf0, buf1)
    gsem = (gs0, gs1)
    ssem = (ss0, ss1)

    n = _FULL_ROUNDS

    def chunk_slice(j):
        return pl.ds((j * _NW + wid) * _CHUNK, _CHUNK)

    def gather(j):
        return pltpu.make_async_copy(
            x_in.at[chunk_slice(j)], bufs[j % 2], gsem[j % 2]
        )

    def scatter(j):
        return pltpu.make_async_copy(
            bufs[j % 2], x_out.at[chunk_slice(j)], ssem[j % 2]
        )

    gather(0).start()
    gather(1).start()
    for j in range(n):
        gather(j).wait()
        s = scatter(j)
        s.start()
        if j + 2 < n:
            s.wait()
            gather(j + 2).start()
    scatter(n - 2).wait()
    scatter(n - 1).wait()

    def _tail():
        sl = pl.ds((_FULL_ROUNDS * _NW + wid) * _CHUNK, _CHUNK)
        g = pltpu.make_async_copy(x_in.at[sl], bufs[0], gsem[0])
        g.start()
        g.wait()
        s = pltpu.make_async_copy(bufs[0], x_out.at[sl], ssem[0])
        s.start()
        s.wait()

    pl.when(wid < _TAIL)(_tail)


def kernel(user_weight, item_weight):
    return _tc_copy(user_weight), _sc_copy(item_weight)

# --- scband reference (transcript-rebuilt; emitter-appended) ---
"""Pipeline reference for scband-bprmf-91216515432635 (READ-ONLY COPY).

The authoritative reference and input builder live on the scoring server;
editing this copy changes nothing except your own understanding.
"""

import jax, jax.numpy as jnp
import numpy as np

NUM_USERS = 100000
NUM_ITEMS = 100000
EMBED = 64


def setup_inputs(seed: int = 0) -> dict:
    key = jax.random.key(seed)
    ku, ki = jax.random.split(key)
    # xavier_uniform init, matching reset_parameters for p.dim() > 1
    limit_u = float(np.sqrt(6.0 / (NUM_USERS + EMBED)))
    limit_i = float(np.sqrt(6.0 / (NUM_ITEMS + EMBED)))
    user_weight = jax.random.uniform(ku, (NUM_USERS, EMBED), dtype=jnp.float32, minval=-limit_u, maxval=limit_u)
    item_weight = jax.random.uniform(ki, (NUM_ITEMS, EMBED), dtype=jnp.float32, minval=-limit_i, maxval=limit_i)
    return {"user_weight": user_weight, "item_weight": item_weight}


def reference(user_weight, item_weight):
    # BPRMF.forward(domain) simply returns the (user, item) embedding tables
    # for the selected domain. The domain string selects which pair of tables
    # is used; here we materialize the tables for one domain ('books').
    return (user_weight, item_weight)

if __name__ == "__main__":
    import jax
    _d = setup_inputs()
    print(jax.jit(kernel)(*tuple(_d.values())))

</pallas_src>

<mosaic_0001>
#map = affine_map<(d0, d1) -> (0, 0)>
module attributes {stable_mosaic.version = 14 : i64} {
  func.func @_sc_copy(%arg0: i32, %arg1: i32, %arg2: memref<100000x64xf32, #tpu.memory_space<hbm>>, %arg3: memref<100000x64xf32, #tpu.memory_space<hbm>>, %arg4: memref<400x64xf32, #tpu.memory_space<vmem>>, %arg5: memref<400x64xf32, #tpu.memory_space<vmem>>, %arg6: memref<!tpu.dma_semaphore, #tpu.memory_space<semaphore_mem>>, %arg7: memref<!tpu.dma_semaphore, #tpu.memory_space<semaphore_mem>>, %arg8: memref<!tpu.dma_semaphore, #tpu.memory_space<semaphore_mem>>, %arg9: memref<!tpu.dma_semaphore, #tpu.memory_space<semaphore_mem>>) attributes {dimension_semantics = [#tpu.dimension_semantics<core_parallel>, #tpu.dimension_semantics<subcore_parallel>], iteration_bounds = array<i64: 2, 16>, scalar_prefetch = 0 : i64, scratch_operands = 6 : i64, tpu.core_type = #tpu.core_type<sc_vector_subcore>, window_params = [{transform_indices = #map}, {transform_indices = #map}]} {
    %mul3A = arith.constant 2 : i32
    %mul3A_0 = arith.muli %arg1, %mul3A : i32
    %add3A = arith.addi %mul3A_0, %arg0 : i32
    %add3A_1 = arith.constant 0 : i32
    %add3A_2 = arith.addi %add3A_1, %add3A : i32
    %mul3A_3 = arith.constant 400 : i32
    %mul3A_4 = arith.muli %add3A_2, %mul3A_3 : i32
    %dma_start3A = arith.constant 0 : i32
    %dma_start3A_5 = tpu.memref_slice %arg2[%mul3A_4, %dma_start3A] : memref<100000x64xf32, #tpu.memory_space<hbm>> -> memref<400x64xf32, #tpu.memory_space<hbm>>
    %dma_start3A_6 = arith.constant 0 : i32
    %dma_start3A_7 = tpu.memref_slice %arg2[%mul3A_4, %dma_start3A_6] : memref<100000x64xf32, #tpu.memory_space<hbm>> -> memref<400x64xf32, #tpu.memory_space<hbm>>
    tpu.enqueue_dma source(%dma_start3A_7 : memref<400x64xf32, #tpu.memory_space<hbm>>) target(%arg4 : memref<400x64xf32, #tpu.memory_space<vmem>>) target_semaphore(%arg6 : memref<!tpu.dma_semaphore, #tpu.memory_space<semaphore_mem>>)
    %add3A_8 = arith.constant 32 : i32
    %add3A_9 = arith.addi %add3A_8, %add3A : i32
    %mul3A_10 = arith.constant 400 : i32
    %mul3A_11 = arith.muli %add3A_9, %mul3A_10 : i32
    %dma_start3A_12 = arith.constant 0 : i32
    %dma_start3A_13 = tpu.memref_slice %arg2[%mul3A_11, %dma_start3A_12] : memref<100000x64xf32, #tpu.memory_space<hbm>> -> memref<400x64xf32, #tpu.memory_space<hbm>>
    %dma_start3A_14 = arith.constant 0 : i32
    %dma_start3A_15 = tpu.memref_slice %arg2[%mul3A_11, %dma_start3A_14] : memref<100000x64xf32, #tpu.memory_space<hbm>> -> memref<400x64xf32, #tpu.memory_space<hbm>>
    tpu.enqueue_dma source(%dma_start3A_15 : memref<400x64xf32, #tpu.memory_space<hbm>>) target(%arg5 : memref<400x64xf32, #tpu.memory_space<vmem>>) target_semaphore(%arg7 : memref<!tpu.dma_semaphore, #tpu.memory_space<semaphore_mem>>)
    %add3A_16 = arith.constant 0 : i32
    %add3A_17 = arith.addi %add3A_16, %add3A : i32
    %mul3A_18 = arith.constant 400 : i32
    %mul3A_19 = arith.muli %add3A_17, %mul3A_18 : i32
    %dma_wait3A = arith.constant 0 : i32
    %dma_wait3A_20 = tpu.memref_slice %arg2[%mul3A_19, %dma_wait3A] : memref<100000x64xf32, #tpu.memory_space<hbm>> -> memref<400x64xf32, #tpu.memory_space<hbm>>
    %dma_wait3A_21 = arith.constant 0 : i32
    %dma_wait3A_22 = tpu.memref_slice %arg2[%mul3A_19, %dma_wait3A_21] : memref<100000x64xf32, #tpu.memory_space<hbm>> -> memref<400x64xf32, #tpu.memory_space<hbm>>
    tpu.wait_dma2 semaphore(%arg6 : memref<!tpu.dma_semaphore, #tpu.memory_space<semaphore_mem>>) src(%dma_wait3A_22 : memref<400x64xf32, #tpu.memory_space<hbm>>) dst(%arg4 : memref<400x64xf32, #tpu.memory_space<vmem>>)
    %add3A_23 = arith.constant 0 : i32
    %add3A_24 = arith.addi %add3A_23, %add3A : i32
    %mul3A_25 = arith.constant 400 : i32
    %mul3A_26 = arith.muli %add3A_24, %mul3A_25 : i32
    %dma_start3A_27 = arith.constant 0 : i32
    %dma_start3A_28 = tpu.memref_slice %arg3[%mul3A_26, %dma_start3A_27] : memref<100000x64xf32, #tpu.memory_space<hbm>> -> memref<400x64xf32, #tpu.memory_space<hbm>>
    %dma_start3A_29 = arith.constant 0 : i32
    %dma_start3A_30 = tpu.memref_slice %arg3[%mul3A_26, %dma_start3A_29] : memref<100000x64xf32, #tpu.memory_space<hbm>> -> memref<400x64xf32, #tpu.memory_space<hbm>>
    tpu.enqueue_dma source(%arg4 : memref<400x64xf32, #tpu.memory_space<vmem>>) target(%dma_start3A_30 : memref<400x64xf32, #tpu.memory_space<hbm>>) target_semaphore(%arg8 : memref<!tpu.dma_semaphore, #tpu.memory_space<semaphore_mem>>)
    %dma_wait3A_31 = arith.constant 0 : i32
    %dma_wait3A_32 = tpu.memref_slice %arg3[%mul3A_26, %dma_wait3A_31] : memref<100000x64xf32, #tpu.memory_space<hbm>> -> memref<400x64xf32, #tpu.memory_space<hbm>>
    %dma_wait3A_33 = arith.constant 0 : i32
    %dma_wait3A_34 = tpu.memref_slice %arg3[%mul3A_26, %dma_wait3A_33] : memref<100000x64xf32, #tpu.memory_space<hbm>> -> memref<400x64xf32, #tpu.memory_space<hbm>>
    tpu.wait_dma2 semaphore(%arg8 : memref<!tpu.dma_semaphore, #tpu.memory_space<semaphore_mem>>) src(%arg4 : memref<400x64xf32, #tpu.memory_space<vmem>>) dst(%dma_wait3A_34 : memref<400x64xf32, #tpu.memory_space<hbm>>)
    %add3A_35 = arith.constant 64 : i32
    %add3A_36 = arith.addi %add3A_35, %add3A : i32
    %mul3A_37 = arith.constant 400 : i32
    %mul3A_38 = arith.muli %add3A_36, %mul3A_37 : i32
    %dma_start3A_39 = arith.constant 0 : i32
    %dma_start3A_40 = tpu.memref_slice %arg2[%mul3A_38, %dma_start3A_39] : memref<100000x64xf32, #tpu.memory_space<hbm>> -> memref<400x64xf32, #tpu.memory_space<hbm>>
    %dma_start3A_41 = arith.constant 0 : i32
    %dma_start3A_42 = tpu.memref_slice %arg2[%mul3A_38, %dma_start3A_41] : memref<100000x64xf32, #tpu.memory_space<hbm>> -> memref<400x64xf32, #tpu.memory_space<hbm>>
    tpu.enqueue_dma source(%dma_start3A_42 : memref<400x64xf32, #tpu.memory_space<hbm>>) target(%arg4 : memref<400x64xf32, #tpu.memory_space<vmem>>) target_semaphore(%arg6 : memref<!tpu.dma_semaphore, #tpu.memory_space<semaphore_mem>>)
    %add3A_43 = arith.constant 32 : i32
    %add3A_44 = arith.addi %add3A_43, %add3A : i32
    %mul3A_45 = arith.constant 400 : i32
    %mul3A_46 = arith.muli %add3A_44, %mul3A_45 : i32
    %dma_wait3A_47 = arith.constant 0 : i32
    %dma_wait3A_48 = tpu.memref_slice %arg2[%mul3A_46, %dma_wait3A_47] : memref<100000x64xf32, #tpu.memory_space<hbm>> -> memref<400x64xf32, #tpu.memory_space<hbm>>
    %dma_wait3A_49 = arith.constant 0 : i32
    %dma_wait3A_50 = tpu.memref_slice %arg2[%mul3A_46, %dma_wait3A_49] : memref<100000x64xf32, #tpu.memory_space<hbm>> -> memref<400x64xf32, #tpu.memory_space<hbm>>
    tpu.wait_dma2 semaphore(%arg7 : memref<!tpu.dma_semaphore, #tpu.memory_space<semaphore_mem>>) src(%dma_wait3A_50 : memref<400x64xf32, #tpu.memory_space<hbm>>) dst(%arg5 : memref<400x64xf32, #tpu.memory_space<vmem>>)
    %add3A_51 = arith.constant 32 : i32
    %add3A_52 = arith.addi %add3A_51, %add3A : i32
    %mul3A_53 = arith.constant 400 : i32
    %mul3A_54 = arith.muli %add3A_52, %mul3A_53 : i32
    %dma_start3A_55 = arith.constant 0 : i32
    %dma_start3A_56 = tpu.memref_slice %arg3[%mul3A_54, %dma_start3A_55] : memref<100000x64xf32, #tpu.memory_space<hbm>> -> memref<400x64xf32, #tpu.memory_space<hbm>>
    %dma_start3A_57 = arith.constant 0 : i32
    %dma_start3A_58 = tpu.memref_slice %arg3[%mul3A_54, %dma_start3A_57] : memref<100000x64xf32, #tpu.memory_space<hbm>> -> memref<400x64xf32, #tpu.memory_space<hbm>>
    tpu.enqueue_dma source(%arg5 : memref<400x64xf32, #tpu.memory_space<vmem>>) target(%dma_start3A_58 : memref<400x64xf32, #tpu.memory_space<hbm>>) target_semaphore(%arg9 : memref<!tpu.dma_semaphore, #tpu.memory_space<semaphore_mem>>)
    %dma_wait3A_59 = arith.constant 0 : i32
    %dma_wait3A_60 = tpu.memref_slice %arg3[%mul3A_54, %dma_wait3A_59] : memref<100000x64xf32, #tpu.memory_space<hbm>> -> memref<400x64xf32, #tpu.memory_space<hbm>>
    %dma_wait3A_61 = arith.constant 0 : i32
    %dma_wait3A_62 = tpu.memref_slice %arg3[%mul3A_54, %dma_wait3A_61] : memref<100000x64xf32, #tpu.memory_space<hbm>> -> memref<400x64xf32, #tpu.memory_space<hbm>>
    tpu.wait_dma2 semaphore(%arg9 : memref<!tpu.dma_semaphore, #tpu.memory_space<semaphore_mem>>) src(%arg5 : memref<400x64xf32, #tpu.memory_space<vmem>>) dst(%dma_wait3A_62 : memref<400x64xf32, #tpu.memory_space<hbm>>)
    %add3A_63 = arith.constant 96 : i32
    %add3A_64 = arith.addi %add3A_63, %add3A : i32
    %mul3A_65 = arith.constant 400 : i32
    %mul3A_66 = arith.muli %add3A_64, %mul3A_65 : i32
    %dma_start3A_67 = arith.constant 0 : i32
    %dma_start3A_68 = tpu.memref_slice %arg2[%mul3A_66, %dma_start3A_67] : memref<100000x64xf32, #tpu.memory_space<hbm>> -> memref<400x64xf32, #tpu.memory_space<hbm>>
    %dma_start3A_69 = arith.constant 0 : i32
    %dma_start3A_70 = tpu.memref_slice %arg2[%mul3A_66, %dma_start3A_69] : memref<100000x64xf32, #tpu.memory_space<hbm>> -> memref<400x64xf32, #tpu.memory_space<hbm>>
    tpu.enqueue_dma source(%dma_start3A_70 : memref<400x64xf32, #tpu.memory_space<hbm>>) target(%arg5 : memref<400x64xf32, #tpu.memory_space<vmem>>) target_semaphore(%arg7 : memref<!tpu.dma_semaphore, #tpu.memory_space<semaphore_mem>>)
    %add3A_71 = arith.constant 64 : i32
    %add3A_72 = arith.addi %add3A_71, %add3A : i32
    %mul3A_73 = arith.constant 400 : i32
    %mul3A_74 = arith.muli %add3A_72, %mul3A_73 : i32
    %dma_wait3A_75 = arith.constant 0 : i32
    %dma_wait3A_76 = tpu.memref_slice %arg2[%mul3A_74, %dma_wait3A_75] : memref<100000x64xf32, #tpu.memory_space<hbm>> -> memref<400x64xf32, #tpu.memory_space<hbm>>
    %dma_wait3A_77 = arith.constant 0 : i32
    %dma_wait3A_78 = tpu.memref_slice %arg2[%mul3A_74, %dma_wait3A_77] : memref<100000x64xf32, #tpu.memory_space<hbm>> -> memref<400x64xf32, #tpu.memory_space<hbm>>
    tpu.wait_dma2 semaphore(%arg6 : memref<!tpu.dma_semaphore, #tpu.memory_space<semaphore_mem>>) src(%dma_wait3A_78 : memref<400x64xf32, #tpu.memory_space<hbm>>) dst(%arg4 : memref<400x64xf32, #tpu.memory_space<vmem>>)
    %add3A_79 = arith.constant 64 : i32
    %add3A_80 = arith.addi %add3A_79, %add3A : i32
    %mul3A_81 = arith.constant 400 : i32
    %mul3A_82 = arith.muli %add3A_80, %mul3A_81 : i32
    %dma_start3A_83 = arith.constant 0 : i32
    %dma_start3A_84 = tpu.memref_slice %arg3[%mul3A_82, %dma_start3A_83] : memref<100000x64xf32, #tpu.memory_space<hbm>> -> memref<400x64xf32, #tpu.memory_space<hbm>>
    %dma_start3A_85 = arith.constant 0 : i32
    %dma_start3A_86 = tpu.memref_slice %arg3[%mul3A_82, %dma_start3A_85] : memref<100000x64xf32, #tpu.memory_space<hbm>> -> memref<400x64xf32, #tpu.memory_space<hbm>>
    tpu.enqueue_dma source(%arg4 : memref<400x64xf32, #tpu.memory_space<vmem>>) target(%dma_start3A_86 : memref<400x64xf32, #tpu.memory_space<hbm>>) target_semaphore(%arg8 : memref<!tpu.dma_semaphore, #tpu.memory_space<semaphore_mem>>)
    %dma_wait3A_87 = arith.constant 0 : i32
    %dma_wait3A_88 = tpu.memref_slice %arg3[%mul3A_82, %dma_wait3A_87] : memref<100000x64xf32, #tpu.memory_space<hbm>> -> memref<400x64xf32, #tpu.memory_space<hbm>>
    %dma_wait3A_89 = arith.constant 0 : i32
    %dma_wait3A_90 = tpu.memref_slice %arg3[%mul3A_82, %dma_wait3A_89] : memref<100000x64xf32, #tpu.memory_space<hbm>> -> memref<400x64xf32, #tpu.memory_space<hbm>>
    tpu.wait_dma2 semaphore(%arg8 : memref<!tpu.dma_semaphore, #tpu.memory_space<semaphore_mem>>) src(%arg4 : memref<400x64xf32, #tpu.memory_space<vmem>>) dst(%dma_wait3A_90 : memref<400x64xf32, #tpu.memory_space<hbm>>)
    %add3A_91 = arith.constant 128 : i32
    %add3A_92 = arith.addi %add3A_91, %add3A : i32
    %mul3A_93 = arith.constant 400 : i32
    %mul3A_94 = arith.muli %add3A_92, %mul3A_93 : i32
    %dma_start3A_95 = arith.constant 0 : i32
    %dma_start3A_96 = tpu.memref_slice %arg2[%mul3A_94, %dma_start3A_95] : memref<100000x64xf32, #tpu.memory_space<hbm>> -> memref<400x64xf32, #tpu.memory_space<hbm>>
    %dma_start3A_97 = arith.constant 0 : i32
    %dma_start3A_98 = tpu.memref_slice %arg2[%mul3A_94, %dma_start3A_97] : memref<100000x64xf32, #tpu.memory_space<hbm>> -> memref<400x64xf32, #tpu.memory_space<hbm>>
    tpu.enqueue_dma source(%dma_start3A_98 : memref<400x64xf32, #tpu.memory_space<hbm>>) target(%arg4 : memref<400x64xf32, #tpu.memory_space<vmem>>) target_semaphore(%arg6 : memref<!tpu.dma_semaphore, #tpu.memory_space<semaphore_mem>>)
    %add3A_99 = arith.constant 96 : i32
    %add3A_100 = arith.addi %add3A_99, %add3A : i32
    %mul3A_101 = arith.constant 400 : i32
    %mul3A_102 = arith.muli %add3A_100, %mul3A_101 : i32
    %dma_wait3A_103 = arith.constant 0 : i32
    %dma_wait3A_104 = tpu.memref_slice %arg2[%mul3A_102, %dma_wait3A_103] : memref<100000x64xf32, #tpu.memory_space<hbm>> -> memref<400x64xf32, #tpu.memory_space<hbm>>
    %dma_wait3A_105 = arith.constant 0 : i32
    %dma_wait3A_106 = tpu.memref_slice %arg2[%mul3A_102, %dma_wait3A_105] : memref<100000x64xf32, #tpu.memory_space<hbm>> -> memref<400x64xf32, #tpu.memory_space<hbm>>
    tpu.wait_dma2 semaphore(%arg7 : memref<!tpu.dma_semaphore, #tpu.memory_space<semaphore_mem>>) src(%dma_wait3A_106 : memref<400x64xf32, #tpu.memory_space<hbm>>) dst(%arg5 : memref<400x64xf32, #tpu.memory_space<vmem>>)
    %add3A_107 = arith.constant 96 : i32
    %add3A_108 = arith.addi %add3A_107, %add3A : i32
    %mul3A_109 = arith.constant 400 : i32
    %mul3A_110 = arith.muli %add3A_108, %mul3A_109 : i32
    %dma_start3A_111 = arith.constant 0 : i32
    %dma_start3A_112 = tpu.memref_slice %arg3[%mul3A_110, %dma_start3A_111] : memref<100000x64xf32, #tpu.memory_space<hbm>> -> memref<400x64xf32, #tpu.memory_space<hbm>>
    %dma_start3A_113 = arith.constant 0 : i32
    %dma_start3A_114 = tpu.memref_slice %arg3[%mul3A_110, %dma_start3A_113] : memref<100000x64xf32, #tpu.memory_space<hbm>> -> memref<400x64xf32, #tpu.memory_space<hbm>>
    tpu.enqueue_dma source(%arg5 : memref<400x64xf32, #tpu.memory_space<vmem>>) target(%dma_start3A_114 : memref<400x64xf32, #tpu.memory_space<hbm>>) target_semaphore(%arg9 : memref<!tpu.dma_semaphore, #tpu.memory_space<semaphore_mem>>)
    %dma_wait3A_115 = arith.constant 0 : i32
    %dma_wait3A_116 = tpu.memref_slice %arg3[%mul3A_110, %dma_wait3A_115] : memref<100000x64xf32, #tpu.memory_space<hbm>> -> memref<400x64xf32, #tpu.memory_space<hbm>>
    %dma_wait3A_117 = arith.constant 0 : i32
    %dma_wait3A_118 = tpu.memref_slice %arg3[%mul3A_110, %dma_wait3A_117] : memref<100000x64xf32, #tpu.memory_space<hbm>> -> memref<400x64xf32, #tpu.memory_space<hbm>>
    tpu.wait_dma2 semaphore(%arg9 : memref<!tpu.dma_semaphore, #tpu.memory_space<semaphore_mem>>) src(%arg5 : memref<400x64xf32, #tpu.memory_space<vmem>>) dst(%dma_wait3A_118 : memref<400x64xf32, #tpu.memory_space<hbm>>)
    %add3A_119 = arith.constant 160 : i32
    %add3A_120 = arith.addi %add3A_119, %add3A : i32
    %mul3A_121 = arith.constant 400 : i32
    %mul3A_122 = arith.muli %add3A_120, %mul3A_121 : i32
    %dma_start3A_123 = arith.constant 0 : i32
    %dma_start3A_124 = tpu.memref_slice %arg2[%mul3A_122, %dma_start3A_123] : memref<100000x64xf32, #tpu.memory_space<hbm>> -> memref<400x64xf32, #tpu.memory_space<hbm>>
    %dma_start3A_125 = arith.constant 0 : i32
    %dma_start3A_126 = tpu.memref_slice %arg2[%mul3A_122, %dma_start3A_125] : memref<100000x64xf32, #tpu.memory_space<hbm>> -> memref<400x64xf32, #tpu.memory_space<hbm>>
    tpu.enqueue_dma source(%dma_start3A_126 : memref<400x64xf32, #tpu.memory_space<hbm>>) target(%arg5 : memref<400x64xf32, #tpu.memory_space<vmem>>) target_semaphore(%arg7 : memref<!tpu.dma_semaphore, #tpu.memory_space<semaphore_mem>>)
    %add3A_127 = arith.constant 128 : i32
    %add3A_128 = arith.addi %add3A_127, %add3A : i32
    %mul3A_129 = arith.constant 400 : i32
    %mul3A_130 = arith.muli %add3A_128, %mul3A_129 : i32
    %dma_wait3A_131 = arith.constant 0 : i32
    %dma_wait3A_132 = tpu.memref_slice %arg2[%mul3A_130, %dma_wait3A_131] : memref<100000x64xf32, #tpu.memory_space<hbm>> -> memref<400x64xf32, #tpu.memory_space<hbm>>
    %dma_wait3A_133 = arith.constant 0 : i32
    %dma_wait3A_134 = tpu.memref_slice %arg2[%mul3A_130, %dma_wait3A_133] : memref<100000x64xf32, #tpu.memory_space<hbm>> -> memref<400x64xf32, #tpu.memory_space<hbm>>
    tpu.wait_dma2 semaphore(%arg6 : memref<!tpu.dma_semaphore, #tpu.memory_space<semaphore_mem>>) src(%dma_wait3A_134 : memref<400x64xf32, #tpu.memory_space<hbm>>) dst(%arg4 : memref<400x64xf32, #tpu.memory_space<vmem>>)
    %add3A_135 = arith.constant 128 : i32
    %add3A_136 = arith.addi %add3A_135, %add3A : i32
    %mul3A_137 = arith.constant 400 : i32
    %mul3A_138 = arith.muli %add3A_136, %mul3A_137 : i32
    %dma_start3A_139 = arith.constant 0 : i32
    %dma_start3A_140 = tpu.memref_slice %arg3[%mul3A_138, %dma_start3A_139] : memref<100000x64xf32, #tpu.memory_space<hbm>> -> memref<400x64xf32, #tpu.memory_space<hbm>>
    %dma_start3A_141 = arith.constant 0 : i32
    %dma_start3A_142 = tpu.memref_slice %arg3[%mul3A_138, %dma_start3A_141] : memref<100000x64xf32, #tpu.memory_space<hbm>> -> memref<400x64xf32, #tpu.memory_space<hbm>>
    tpu.enqueue_dma source(%arg4 : memref<400x64xf32, #tpu.memory_space<vmem>>) target(%dma_start3A_142 : memref<400x64xf32, #tpu.memory_space<hbm>>) target_semaphore(%arg8 : memref<!tpu.dma_semaphore, #tpu.memory_space<semaphore_mem>>)
    %dma_wait3A_143 = arith.constant 0 : i32
    %dma_wait3A_144 = tpu.memref_slice %arg3[%mul3A_138, %dma_wait3A_143] : memref<100000x64xf32, #tpu.memory_space<hbm>> -> memref<400x64xf32, #tpu.memory_space<hbm>>
    %dma_wait3A_145 = arith.constant 0 : i32
    %dma_wait3A_146 = tpu.memref_slice %arg3[%mul3A_138, %dma_wait3A_145] : memref<100000x64xf32, #tpu.memory_space<hbm>> -> memref<400x64xf32, #tpu.memory_space<hbm>>
    tpu.wait_dma2 semaphore(%arg8 : memref<!tpu.dma_semaphore, #tpu.memory_space<semaphore_mem>>) src(%arg4 : memref<400x64xf32, #tpu.memory_space<vmem>>) dst(%dma_wait3A_146 : memref<400x64xf32, #tpu.memory_space<hbm>>)
    %add3A_147 = arith.constant 192 : i32
    %add3A_148 = arith.addi %add3A_147, %add3A : i32
    %mul3A_149 = arith.constant 400 : i32
    %mul3A_150 = arith.muli %add3A_148, %mul3A_149 : i32
    %dma_start3A_151 = arith.constant 0 : i32
    %dma_start3A_152 = tpu.memref_slice %arg2[%mul3A_150, %dma_start3A_151] : memref<100000x64xf32, #tpu.memory_space<hbm>> -> memref<400x64xf32, #tpu.memory_space<hbm>>
    %dma_start3A_153 = arith.constant 0 : i32
    %dma_start3A_154 = tpu.memref_slice %arg2[%mul3A_150, %dma_start3A_153] : memref<100000x64xf32, #tpu.memory_space<hbm>> -> memref<400x64xf32, #tpu.memory_space<hbm>>
    tpu.enqueue_dma source(%dma_start3A_154 : memref<400x64xf32, #tpu.memory_space<hbm>>) target(%arg4 : memref<400x64xf32, #tpu.memory_space<vmem>>) target_semaphore(%arg6 : memref<!tpu.dma_semaphore, #tpu.memory_space<semaphore_mem>>)
    %add3A_155 = arith.constant 160 : i32
    %add3A_156 = arith.addi %add3A_155, %add3A : i32
    %mul3A_157 = arith.constant 400 : i32
    %mul3A_158 = arith.muli %add3A_156, %mul3A_157 : i32
    %dma_wait3A_159 = arith.constant 0 : i32
    %dma_wait3A_160 = tpu.memref_slice %arg2[%mul3A_158, %dma_wait3A_159] : memref<100000x64xf32, #tpu.memory_space<hbm>> -> memref<400x64xf32, #tpu.memory_space<hbm>>
    %dma_wait3A_161 = arith.constant 0 : i32
    %dma_wait3A_162 = tpu.memref_slice %arg2[%mul3A_158, %dma_wait3A_161] : memref<100000x64xf32, #tpu.memory_space<hbm>> -> memref<400x64xf32, #tpu.memory_space<hbm>>
    tpu.wait_dma2 semaphore(%arg7 : memref<!tpu.dma_semaphore, #tpu.memory_space<semaphore_mem>>) src(%dma_wait3A_162 : memref<400x64xf32, #tpu.memory_space<hbm>>) dst(%arg5 : memref<400x64xf32, #tpu.memory_space<vmem>>)
    %add3A_163 = arith.constant 160 : i32
    %add3A_164 = arith.addi %add3A_163, %add3A : i32
    %mul3A_165 = arith.constant 400 : i32
    %mul3A_166 = arith.muli %add3A_164, %mul3A_165 : i32
    %dma_start3A_167 = arith.constant 0 : i32
    %dma_start3A_168 = tpu.memref_slice %arg3[%mul3A_166, %dma_start3A_167] : memref<100000x64xf32, #tpu.memory_space<hbm>> -> memref<400x64xf32, #tpu.memory_space<hbm>>
    %dma_start3A_169 = arith.constant 0 : i32
    %dma_start3A_170 = tpu.memref_slice %arg3[%mul3A_166, %dma_start3A_169] : memref<100000x64xf32, #tpu.memory_space<hbm>> -> memref<400x64xf32, #tpu.memory_space<hbm>>
    tpu.enqueue_dma source(%arg5 : memref<400x64xf32, #tpu.memory_space<vmem>>) target(%dma_start3A_170 : memref<400x64xf32, #tpu.memory_space<hbm>>) target_semaphore(%arg9 : memref<!tpu.dma_semaphore, #tpu.memory_space<semaphore_mem>>)
    %add3A_171 = arith.constant 192 : i32
    %add3A_172 = arith.addi %add3A_171, %add3A : i32
    %mul3A_173 = arith.constant 400 : i32
    %mul3A_174 = arith.muli %add3A_172, %mul3A_173 : i32
    %dma_wait3A_175 = arith.constant 0 : i32
    %dma_wait3A_176 = tpu.memref_slice %arg2[%mul3A_174, %dma_wait3A_175] : memref<100000x64xf32, #tpu.memory_space<hbm>> -> memref<400x64xf32, #tpu.memory_space<hbm>>
    %dma_wait3A_177 = arith.constant 0 : i32
    %dma_wait3A_178 = tpu.memref_slice %arg2[%mul3A_174, %dma_wait3A_177] : memref<100000x64xf32, #tpu.memory_space<hbm>> -> memref<400x64xf32, #tpu.memory_space<hbm>>
    tpu.wait_dma2 semaphore(%arg6 : memref<!tpu.dma_semaphore, #tpu.memory_space<semaphore_mem>>) src(%dma_wait3A_178 : memref<400x64xf32, #tpu.memory_space<hbm>>) dst(%arg4 : memref<400x64xf32, #tpu.memory_space<vmem>>)
    %add3A_179 = arith.constant 192 : i32
    %add3A_180 = arith.addi %add3A_179, %add3A : i32
    %mul3A_181 = arith.constant 400 : i32
    %mul3A_182 = arith.muli %add3A_180, %mul3A_181 : i32
    %dma_start3A_183 = arith.constant 0 : i32
    %dma_start3A_184 = tpu.memref_slice %arg3[%mul3A_182, %dma_start3A_183] : memref<100000x64xf32, #tpu.memory_space<hbm>> -> memref<400x64xf32, #tpu.memory_space<hbm>>
    %dma_start3A_185 = arith.constant 0 : i32
    %dma_start3A_186 = tpu.memref_slice %arg3[%mul3A_182, %dma_start3A_185] : memref<100000x64xf32, #tpu.memory_space<hbm>> -> memref<400x64xf32, #tpu.memory_space<hbm>>
    tpu.enqueue_dma source(%arg4 : memref<400x64xf32, #tpu.memory_space<vmem>>) target(%dma_start3A_186 : memref<400x64xf32, #tpu.memory_space<hbm>>) target_semaphore(%arg8 : memref<!tpu.dma_semaphore, #tpu.memory_space<semaphore_mem>>)
    %add3A_187 = arith.constant 160 : i32
    %add3A_188 = arith.addi %add3A_187, %add3A : i32
    %mul3A_189 = arith.constant 400 : i32
    %mul3A_190 = arith.muli %add3A_188, %mul3A_189 : i32
    %dma_wait3A_191 = arith.constant 0 : i32
    %dma_wait3A_192 = tpu.memref_slice %arg3[%mul3A_190, %dma_wait3A_191] : memref<100000x64xf32, #tpu.memory_space<hbm>> -> memref<400x64xf32, #tpu.memory_space<hbm>>
    %dma_wait3A_193 = arith.constant 0 : i32
    %dma_wait3A_194 = tpu.memref_slice %arg3[%mul3A_190, %dma_wait3A_193] : memref<100000x64xf32, #tpu.memory_space<hbm>> -> memref<400x64xf32, #tpu.memory_space<hbm>>
    tpu.wait_dma2 semaphore(%arg9 : memref<!tpu.dma_semaphore, #tpu.memory_space<semaphore_mem>>) src(%arg5 : memref<400x64xf32, #tpu.memory_space<vmem>>) dst(%dma_wait3A_194 : memref<400x64xf32, #tpu.memory_space<hbm>>)
    %add3A_195 = arith.constant 192 : i32
    %add3A_196 = arith.addi %add3A_195, %add3A : i32
    %mul3A_197 = arith.constant 400 : i32
    %mul3A_198 = arith.muli %add3A_196, %mul3A_197 : i32
    %dma_wait3A_199 = arith.constant 0 : i32
    %dma_wait3A_200 = tpu.memref_slice %arg3[%mul3A_198, %dma_wait3A_199] : memref<100000x64xf32, #tpu.memory_space<hbm>> -> memref<400x64xf32, #tpu.memory_space<hbm>>
    %dma_wait3A_201 = arith.constant 0 : i32
    %dma_wait3A_202 = tpu.memref_slice %arg3[%mul3A_198, %dma_wait3A_201] : memref<100000x64xf32, #tpu.memory_space<hbm>> -> memref<400x64xf32, #tpu.memory_space<hbm>>
    tpu.wait_dma2 semaphore(%arg8 : memref<!tpu.dma_semaphore, #tpu.memory_space<semaphore_mem>>) src(%arg4 : memref<400x64xf32, #tpu.memory_space<vmem>>) dst(%dma_wait3A_202 : memref<400x64xf32, #tpu.memory_space<hbm>>)
    %lt3A = arith.constant 26 : i32
    %lt3A_203 = arith.cmpi slt, %add3A, %lt3A : i32
    %convert_element_type3A = arith.extui %lt3A_203 : i1 to i32
    %cond3A = arith.constant 0 : i32
    %cond3A_204 = arith.cmpi ne, %convert_element_type3A, %cond3A : i32
    scf.if %cond3A_204 {
      %add3A_205 = arith.constant 224 : i32
      %add3A_206 = arith.addi %add3A_205, %add3A : i32
      %mul3A_207 = arith.constant 400 : i32
      %mul3A_208 = arith.muli %add3A_206, %mul3A_207 : i32
      %dma_start3A_209 = arith.constant 0 : i32
      %dma_start3A_210 = tpu.memref_slice %arg2[%mul3A_208, %dma_start3A_209] : memref<100000x64xf32, #tpu.memory_space<hbm>> -> memref<400x64xf32, #tpu.memory_space<hbm>>
      %dma_start3A_211 = arith.constant 0 : i32
      %dma_start3A_212 = tpu.memref_slice %arg2[%mul3A_208, %dma_start3A_211] : memref<100000x64xf32, #tpu.memory_space<hbm>> -> memref<400x64xf32, #tpu.memory_space<hbm>>
      tpu.enqueue_dma source(%dma_start3A_212 : memref<400x64xf32, #tpu.memory_space<hbm>>) target(%arg4 : memref<400x64xf32, #tpu.memory_space<vmem>>) target_semaphore(%arg6 : memref<!tpu.dma_semaphore, #tpu.memory_space<semaphore_mem>>)
      %dma_wait3A_213 = arith.constant 0 : i32
      %dma_wait3A_214 = tpu.memref_slice %arg2[%mul3A_208, %dma_wait3A_213] : memref<100000x64xf32, #tpu.memory_space<hbm>> -> memref<400x64xf32, #tpu.memory_space<hbm>>
      %dma_wait3A_215 = arith.constant 0 : i32
      %dma_wait3A_216 = tpu.memref_slice %arg2[%mul3A_208, %dma_wait3A_215] : memref<100000x64xf32, #tpu.memory_space<hbm>> -> memref<400x64xf32, #tpu.memory_space<hbm>>
      tpu.wait_dma2 semaphore(%arg6 : memref<!tpu.dma_semaphore, #tpu.memory_space<semaphore_mem>>) src(%dma_wait3A_216 : memref<400x64xf32, #tpu.memory_space<hbm>>) dst(%arg4 : memref<400x64xf32, #tpu.memory_space<vmem>>)
      %dma_start3A_217 = arith.constant 0 : i32
      %dma_start3A_218 = tpu.memref_slice %arg3[%mul3A_208, %dma_start3A_217] : memref<100000x64xf32, #tpu.memory_space<hbm>> -> memref<400x64xf32, #tpu.memory_space<hbm>>
      %dma_start3A_219 = arith.constant 0 : i32
      %dma_start3A_220 = tpu.memref_slice %arg3[%mul3A_208, %dma_start3A_219] : memref<100000x64xf32, #tpu.memory_space<hbm>> -> memref<400x64xf32, #tpu.memory_space<hbm>>
      tpu.enqueue_dma source(%arg4 : memref<400x64xf32, #tpu.memory_space<vmem>>) target(%dma_start3A_220 : memref<400x64xf32, #tpu.memory_space<hbm>>) target_semaphore(%arg8 : memref<!tpu.dma_semaphore, #tpu.memory_space<semaphore_mem>>)
      %dma_wait3A_221 = arith.constant 0 : i32
      %dma_wait3A_222 = tpu.memref_slice %arg3[%mul3A_208, %dma_wait3A_221] : memref<100000x64xf32, #tpu.memory_space<hbm>> -> memref<400x64xf32, #tpu.memory_space<hbm>>
      %dma_wait3A_223 = arith.constant 0 : i32
      %dma_wait3A_224 = tpu.memref_slice %arg3[%mul3A_208, %dma_wait3A_223] : memref<100000x64xf32, #tpu.memory_space<hbm>> -> memref<400x64xf32, #tpu.memory_space<hbm>>
      tpu.wait_dma2 semaphore(%arg8 : memref<!tpu.dma_semaphore, #tpu.memory_space<semaphore_mem>>) src(%arg4 : memref<400x64xf32, #tpu.memory_space<vmem>>) dst(%dma_wait3A_224 : memref<400x64xf32, #tpu.memory_space<hbm>>)
    } else {
    }
    return
  }
}

module attributes {stable_mosaic.version = 14 : i64} {
  func.func @_tc_copy_kernel(%arg0: i32, %arg1: memref<10000x64xf32, #tpu.memory_space<vmem>>, %arg2: memref<10000x64xf32, #tpu.memory_space<vmem>>) attributes {dimension_semantics = [#tpu.dimension_semantics<arbitrary>], iteration_bounds = array<i64: 10>, scalar_prefetch = 0 : i64, scratch_operands = 0 : i64, tpu.core_type = #tpu.core_type<tc>, window_params = [{transform_indices = @transform_0, window_bounds = array<i64: 10000, 64>}, {transform_indices = @transform_1, window_bounds = array<i64: 10000, 64>}]} {
    %get3A = arith.constant 0 : index
    %get3A_0 = arith.constant 0 : index
    %get3A_1 = vector.load %arg1[%get3A, %get3A_0] : memref<10000x64xf32, #tpu.memory_space<vmem>>, vector<10000x64xf32>
    %swap3A = arith.constant 0 : index
    %swap3A_2 = arith.constant 0 : index
    %swap3A_3 = vector.load %arg2[%swap3A, %swap3A_2] : memref<10000x64xf32, #tpu.memory_space<vmem>>, vector<10000x64xf32>
    tpu.vector_store %arg2[%swap3A, %swap3A_2], %get3A_1 {strides = array<i32>} : memref<10000x64xf32, #tpu.memory_space<vmem>>, vector<10000x64xf32>,
    return
  }
  func.func @transform_0(%arg0: i32) -> (i32, i32) {
    %c0_i32 = arith.constant 0 : i32
    %c0_i32_0 = arith.constant 0 : i32
    return %arg0, %c0_i32 : i32, i32
  }
  func.func @transform_1(%arg0: i32) -> (i32, i32) {
    %c0_i32 = arith.constant 0 : i32
    %c0_i32_0 = arith.constant 0 : i32
    return %arg0, %c0_i32 : i32, i32
  }
}

</mosaic_0001>

<sc_bundles>
// kernel: kernel.4.cloned.1.call-start
scs
__scs_entry_jumppad:
0x0: {  	(pc) =	sbr.rel $0x88, $3  }
0x1: {  	(tag) =	ssettag $0x0;
	lr =	simm.s32 $0x1  }
0x2: {  	[smem:$0x3F9F] =	sst lr;
	_ =	strace $0xD0000000  }
0x3: {  	_ = 	snop  }
0x4: {  	_ = 	snop  }
0x5: {  	_ = 	snop  }
0x6: {  	_ = 	snop  }
0x7: {  	_ = 	snop  }
__scs_overlays_trampoline_lowered:
0x8: {  	[smem:$0x3FAE] =	sst s0  }
0x9: {  	[smem:$0x3FAF] =	sst s1  }
0xa: {  	[smem:$0x3FB0] =	sst s2  }
0xb: {  	[smem:$0x3FB1] =	sst s3  }
0xc: {  	[smem:$0x3FB2] =	sst s4  }
0xd: {  	[smem:$0x3FB3] =	sst s5  }
0xe: {  	[smem:$0x3FB4] =	sst s6  }
0xf: {  	[smem:$0x3FB5] =	sst s7  }
0x10: {  	[smem:$0x3FB6] =	sst s8  }
0x11: {  	[smem:$0x3FB7] =	sst s9;
	s0 =	simm.s32 @!p0 $0x0  }
0x12: {  	s1 =	sld [smem:$0x3F9D];
	s0 =	simm.s32 @p0 $0x1  }
0x13: {  	[smem:$0x3FB8] =	sst s0;
	s0 =	simm.s32 @!p1 $0x0  }
0x14: {  	s2 =	sld [smem:$0x3F9C];
	s0 =	simm.s32 @p1 $0x1  }
0x15: {  	[smem:$0x3FB9] =	sst s0;
	s0 =	simm.s32 @!p2 $0x0  }
0x16: {  	s3 =	sld [smem:$0x3FDB];
	s0 =	simm.s32 @p2 $0x1  }
0x17: {  	s4 =	simm.s32 $0x1BF5;
	[smem:$0x3FBB] =	sst s0  }
0x18: {  	s0 =	sld [smem:$0x3F9E];
	_ =	swait.ge [sflag:s4], $0x0  }
0x19: {  	s7 =	sld [smem:$0x3F9F]  }
0x1a: {  	s8 =	sadd.s32 $0xFFFFE003, lr  }
0x1b: {  	s9 =	sadd.s32 $0xFFFFFEF7, lr;
	s5 =	simm.s32 $0xFFFFFFFF;
	p2 =	slt.u32 s8, $0xFFFFF086  }
0x1c: {  	p1 =	slt.u32 s9, $0xF7A;
	s5 =	simm.s32 @!p2 $0x0  }
0x1d: {  	s5 =	simm.s32 @p1 $0x1;
	p0 =	seq.s32 s7, s2  }
0x1e: {  	s7 =	smul.u32 @!p0 $0xF7A, s2;
	p2 =	seq.s32 @!p0 s5, $0x0  }
0x1f: {  	s9 =	smul.u32 $0xF7A, s1;
	s8 =	simm.s32 @!p0 $0x1BF5;
	p2 =	por !p2, p0  }
0x20: {  	[sflag:s8] =	ssyncset.s32 @!p0 $0xFFFFF086;
	s6 =	sadd.s32 @!p0 s3, s7;
	s7 =	simm.s32 @!p0 $0x108  }
0x21: {  	s3 =	sadd.s32 s3, s9;
	s6 =	sadd.s32 @!p0 $0x88, s6;
	s7 =	simm.s32 @p2 $0x1082  }
0x22: {  	[simem:s7], [sflag:s8] =	dma.local @!p0 [hbm:s6], $0xF7A  }
0x23: {  	s9 =	sor.u32 $0xD0000000, s2;
	s6 =	simm.s32 $0x108;
	_ =	swait.ge @!p0 [sflag:s8], $0x0  }
0x24: {  	s3 =	sadd.s32 $0x88, s3;
	s6 =	simm.s32 @!p1 $0x1082;
	[sflag:s4] =	ssyncset.s32 $0xFFFFF086  }
0x25: {  	[simem:s6], [sflag:s4] =	dma.local [hbm:s3], $0xF7A  }
0x26: {  	[smem:$0x3F9F] =	sst s1;
	(tag) =	ssettag s2;
	_ =	strace s9  }
0x27: {  	s1 =	sld [smem:$0x3FAF]  }
0x28: {  	s2 =	sld [smem:$0x3FB0]  }
0x29: {  	s4 =	sld [smem:$0x3FB2]  }
0x2a: {  	p0 =	seq.s32 s5, $0x0;
	s5 =	sld [smem:$0x3FB3]  }
0x2b: {  	s6 =	sld [smem:$0x3FB4]  }
0x2c: {  	s7 =	sld [smem:$0x3FB5]  }
0x2d: {  	s3 =	simm.s32 $0x108;
	s8 =	sld [smem:$0x3FB6]  }
0x2e: {  	s3 =	simm.s32 @!p0 $0x1082;
	s9 =	sld [smem:$0x3FB7]  }
0x2f: {  	lr =	sadd.s32 s0, s3;
	s0 =	sld [smem:$0x3FAE]  }
0x30: {  	s3 =	sld [smem:$0x3FB1]  }
0x31: {  	[smem:$0x3FBA] =	sst s10  }
0x32: {  	s10 =	sld [smem:$0x3FB8];
	_ =	sdelay $0x3  }
0x33: {  	p0 =	seq.s32 s10, $0x1;
	s10 =	sld [smem:$0x3FBA];
	_ =	sdelay $0x3  }
0x34: {  	[smem:$0x3FBA] =	sst s10  }
0x35: {  	s10 =	sld [smem:$0x3FB9];
	_ =	sdelay $0x3  }
0x36: {  	p1 =	seq.s32 s10, $0x1;
	s10 =	sld [smem:$0x3FBA];
	_ =	sdelay $0x3  }
0x37: {  	[smem:$0x3FBA] =	sst s10  }
0x38: {  	s10 =	sld [smem:$0x3FBB]  }
0x39: {  	_ = 	snop;
	(pc) =	sbr.ind lr, $3  }
0x3a: {  	_ = 	snop  }
0x3b: {  	_ = 	snop  }
0x3c: {  	p2 =	seq.s32 s10, $0x1;
	s10 =	sld [smem:$0x3FBA]  }
0x3d: {  	_ =	shalt  }
0x3e: {  	_ =	shalt  }
0x3f: {  	_ =	shalt  }
0x40: {  	_ =	shalt  }
0x41: {  	_ =	shalt  }
0x42: {  	_ =	shalt  }
0x43: {  	_ =	shalt  }
0x44: {  	_ =	shalt  }
0x45: {  	_ =	shalt  }
0x46: {  	_ =	shalt  }
0x47: {  	_ =	shalt  }
0x48: {  	_ =	shalt  }
0x49: {  	_ =	shalt  }
0x4a: {  	_ =	shalt  }
0x4b: {  	_ =	shalt  }
0x4c: {  	_ =	shalt  }
0x4d: {  	_ =	shalt  }
0x4e: {  	_ =	shalt  }
0x4f: {  	_ =	shalt  }
0x50: {  	_ =	shalt  }
0x51: {  	_ =	shalt  }
0x52: {  	_ =	shalt  }
0x53: {  	_ =	shalt  }
0x54: {  	_ =	shalt  }
0x55: {  	_ =	shalt  }
0x56: {  	_ =	shalt  }
0x57: {  	_ =	shalt  }
0x58: {  	_ =	shalt  }
0x59: {  	_ =	shalt  }
0x5a: {  	_ =	shalt  }
0x5b: {  	_ =	shalt  }
0x5c: {  	_ =	shalt  }
0x5d: {  	_ =	shalt  }
0x5e: {  	_ =	shalt  }
0x5f: {  	_ =	shalt  }
0x60: {  	_ =	shalt  }
0x61: {  	_ =	shalt  }
0x62: {  	_ =	shalt  }
0x63: {  	_ =	shalt  }
0x64: {  	_ =	shalt  }
0x65: {  	_ =	shalt  }
0x66: {  	_ =	shalt  }
0x67: {  	_ =	shalt  }
0x68: {  	_ =	shalt  }
0x69: {  	_ =	shalt  }
0x6a: {  	_ =	shalt  }
0x6b: {  	_ =	shalt  }
0x6c: {  	_ =	shalt  }
0x6d: {  	_ =	shalt  }
0x6e: {  	_ =	shalt  }
0x6f: {  	_ =	shalt  }
0x70: {  	_ =	shalt  }
0x71: {  	_ =	shalt  }
0x72: {  	_ =	shalt  }
0x73: {  	_ =	shalt  }
0x74: {  	_ =	shalt  }
0x75: {  	_ =	shalt  }
0x76: {  	_ =	shalt  }
0x77: {  	_ =	shalt  }
0x78: {  	_ =	shalt  }
0x79: {  	_ =	shalt  }
0x7a: {  	_ =	shalt  }
0x7b: {  	_ =	shalt  }
0x7c: {  	_ =	shalt  }
0x7d: {  	_ =	shalt  }
0x7e: {  	_ =	shalt  }
0x7f: {  	_ =	shalt  }
0x80: {  	_ =	shalt  }
0x81: {  	_ =	shalt  }
0x82: {  	_ =	shalt  }
0x83: {  	_ =	shalt  }
0x84: {  	_ =	shalt  }
0x85: {  	_ =	shalt  }
0x86: {  	_ =	shalt  }
0x87: {  	_ =	shalt  }
.Lfunc_end0:
.L_simem_size_0:
called_computation_lowered:
.L_overlay_start_0:
0x88: {  	s2 =	sld [smem:$0x3FD9]  }
0x89: {  	s3 =	sld [smem:$0x3FFE];
	_ =	sdelay $0x1  }
0x8a: {  	s1 =	srdreg.scid  }
0x8b: {  	s0 =	sand.u32 $0x1, s1  }
0x8c: {  	s16 =	sshll.u32 s0, $0xA;
	s2 =	sadd.s32 s3, s2  }
0x8d: {  	s2 =	sadd.s32 s2, s16  }
0x8e: {  	[smem:$0x3FC6] =	sst s2  }
0x8f: {  	_ = 	snop  }
0x90: {  	(tm) =	ssettm $0x1  }
0x91: {  	s17 =	sld [smem:$0x3FFB];
	_ =	sdelay $0x3  }
0x92: {  	_ =	strace s17  }
0x93: {  	s2 =	sld [smem:$0x3FFC];
	_ =	sdelay $0x3  }
0x94: {  	_ =	strace s2  }
0x95: {  	s2 =	sld [smem:$0x3FFD];
	_ =	sdelay $0x3  }
0x96: {  	_ =	strace s2  }
0x97: {  	_ =	strace $0x8FFFFFFF  }
0x98: {  	s18 =	sld [smem:$0x3FDB];
	_ =	sdelay $0x1  }
0x99: {  	s19 =	simm.s32 $_scs_section_size  }
0x9a: {  	s4 =	simm.s32 $_size__tile_overlayer_lowered;
	s5 =	simm.s32 $_tile_overlayer_lowered  }
0x9b: {  	s22 =	simm.s32 $0x1BFF;
	s21 =	sshll.u32 s5, $0x1;
	s2 =	sadd.s32 s19, s18  }
0x9c: {  	s6 =	simm.s32 $0x0;
	s20 =	sshll.u32 s4, $0x1;
	s4 =	sadd.s32 s21, s2  }
0x9d: {  	[timem:s6], [sflag:s22] =	dma.local [hbm:s4], s20  }
0x9e: {  	_ =	swait.ge [sflag:s22], s20  }
0x9f: {  	s3 =	ssub.s32 $0x0, s20;
	[sflag:s22] =	ssyncset.done $0x0  }
0xa0: {  	[sflag:s22] =	ssyncadd.s32 s3;
	_ =	sdelay $0x1  }
0xa1: {  	s23 =	simm.s32 $0x1B8B  }
0xa2: {  	_ =	swait.ge [sflag:s23], $0x1  }
0xa3: {  	[sflag:s23] =	ssyncset.done $0x0  }
0xa4: {  	s25 =	simm.s32 $0x1B8E;
	s24 =	sld [smem:$0x3FFE];
	[sflag:s23] =	ssyncadd.s32 $0xFFFFFFFF  }
0xa5: {  	s26 =	simm.s32 $execute0_lowered;
	[smem:$0x3FD2] =	sst s25  }
0xa6: {  	s4 =	sshll.u32 s26, $0x1;
	_ =	strace $0x80000046;
	[dreg:$0x1] =	wrdreg $0xFFFFFFFF  }
0xa7: {  	s28 =	simm.s32 $_size_execute0_lowered;
	s2 =	sadd.s32 s2, s4;
	[dreg:$0x0] =	wrdreg $0x0  }
0xa8: {  	s4 =	sshll.u32 s28, $0x1;
	[dreg:$0x2] =	wrdreg s2  }
0xa9: {  	[dreg:$0x3] =	wrdreg s4  }
0xaa: {  	[dreg:$0x4] =	wrdreg $0xC0  }
0xab: {  	_ =	task [dreg:s6], $0x5FFFF  }
0xac: {  	[dreg:$0x1] =	wrdreg $0xFFFFFFFF  }
0xad: {  	[dreg:$0x0] =	wrdreg $0x60  }
0xae: {  	[dreg:$0x2] =	wrdreg s24  }
0xaf: {  	[dreg:$0x3] =	wrdreg $0x9  }
0xb0: {  	_ =	task.clear_ibuf [dreg:s6], $0x4FFFF;
	_ =	strace $0x90000046  }
0xb1: {  	s29 =	simm.s32 $0x9;
	_ =	strace $0x80000048  }
0xb2: {  	_ =	swait.ge [sflag:s29], $0x1  }
0xb3: {  	[sflag:s29] =	ssyncadd.s32 $0xFFFFFFFF  }
0xb4: {  	_ =	strace $0x90000048  }
0xb5: {  	_ =	sfence  }
0xb6: {  	s30 =	sld [smem:$0x0];
	_ =	sdelay $0x2  }
0xb7: {  	s31 =	sshll.u32 s1, $0xD;
	s1 =	sshrl.u32 s1, $0x2  }
0xb8: {  	s3 =	sand.u32 $0x4000, s31;
	s1 =	sadd.s32 s1, s30  }
0xb9: {  	s0 =	sor.u32 s3, s0;
	s1 =	sshll.u32 s1, $0x11  }
0xba: {  	s0 =	sor.u32 s1, s0  }
0xbb: {  	s0 =	sadd.s32 $0x8F2B, s0  }
0xbc: {  	[sflag:s0] =	ssyncadd.remote.s32 $0x1  }
0xbd: {  	_ =	sfence.sel $0xFFFF  }
0xbe: {  	[dreg:$0x0] =	wrdreg $0xFFFFFFFF;
	(pc) =	sbr.abs _section_cstart, $3  }
0xbf: {  	[dreg:$0x1] =	wrdreg $0xFFFFFFFF  }
0xc0: {  	_ =	task.clear_ibuf [dreg:s6], $0x2FFFF;
	_ =	strace $0x9FFFFFFF  }
0xc1: {  	(tm) =	ssettm $0x7FFFFFFF  }
tec
execute0_lowered:
.L_overlay_start_1:
0x0: {  	(tag) =	ssettag $0x1  }
0x1: {  	s1 =	srdreg.scid;
	s0 =	stileid.u32  }
0x2: {  	s24 =	sand.u32 $0x1, s1;
	s30 =	sshll.u32 s0, $0x1  }
0x3: {  	s3 =	sor.u32 s24, s30  }
0x4: {  	s7 =	rddreg [dreg:$0x0];
	s4 =	smul.u32 $0xC800, s3  }
0x5: {  	s2 =	simm.s32 $0x0;
	s1 =	rddreg [dreg:$0x1];
	s8 =	smul.u32 $0x1900, s3  }
0x6: {  	[smem:$0x7FF] =	sst s2;
	s22 =	sadd.s32 $0x2000, s7;
	s23 =	sshrl.u32 s4, $0x3  }
0x7: {  	_ =	strace $0x80000047;
	s3 =	sadd.s32 s22, s8;
	s11 =	sadd.s32 $0x32000, s23  }
0x8: {  	[tilespmem:s2], [sflag:$0x1] =	stream.linear.gather [hbm4b:s3+s2], $0xC800, $0x38;
	[tilespmem:$0x19000] =	vst v63  }
0x9: {  	s5 =	simm.s32 $0xC800;
	s6 =	simm.s32 $0x1;
	s4 =	sadd.s32 s22, s11  }
0xa: {  	[tilespmem:s5], [sflag:$0x2] =	stream.linear.gather [hbm4b:s4+s2], $0xC800, $0x38;
	[tilespmem:$0x19000] =	vst v63  }
0xb: {  	_ =	swait.ge [sflag:s6], $0xC800  }
0xc: {  	s25 =	sadd.s32 $0x188A00, s7;
	[sflag:s6] =	ssyncset.done $0x0  }
0xd: {  	s7 =	sadd.s32 s25, s8;
	s8 =	simm.s32 $0x3;
	[sflag:s6] =	ssyncadd.s32 $0xFFFF3800  }
0xe: {  	[hbm4b:s7+s2] =	stream.linear.scatter [tilespmem:s2], [sflag:$0x3], $0xC800, $0x38;
	[tilespmem:$0x19000] =	vst v63  }
0xf: {  	_ =	swait.ge [sflag:s8], $0xC800  }
0x10: {  	s14 =	sadd.s32 $0x64000, s23;
	[sflag:s8] =	ssyncset.done $0x0  }
0x11: {  	s10 =	simm.s32 $0x2;
	s9 =	sadd.s32 s22, s14;
	[sflag:s8] =	ssyncadd.s32 $0xFFFF3800  }
0x12: {  	[tilespmem:s2], [sflag:$0x1] =	stream.linear.gather [hbm4b:s9+s2], $0xC800, $0x38;
	[tilespmem:$0x19000] =	vst v63  }
0x13: {  	_ =	swait.ge [sflag:s10], $0xC800  }
0x14: {  	[sflag:s10] =	ssyncset.done $0x0  }
0x15: {  	s12 =	simm.s32 $0x4;
	s11 =	sadd.s32 s25, s11;
	[sflag:s10] =	ssyncadd.s32 $0xFFFF3800  }
0x16: {  	[hbm4b:s11+s2] =	stream.linear.scatter [tilespmem:s5], [sflag:$0x4], $0xC800, $0x38;
	[tilespmem:$0x19000] =	vst v63  }
0x17: {  	_ =	swait.ge [sflag:s12], $0xC800  }
0x18: {  	s16 =	sadd.s32 $0x96000, s23;
	[sflag:s12] =	ssyncset.done $0x0  }
0x19: {  	s13 =	sadd.s32 s22, s16;
	[sflag:s12] =	ssyncadd.s32 $0xFFFF3800  }
0x1a: {  	[tilespmem:s5], [sflag:$0x2] =	stream.linear.gather [hbm4b:s13+s2], $0xC800, $0x38;
	[tilespmem:$0x19000] =	vst v63  }
0x1b: {  	_ =	swait.ge [sflag:s6], $0xC800  }
0x1c: {  	[sflag:s6] =	ssyncset.done $0x0  }
0x1d: {  	s14 =	sadd.s32 s25, s14;
	[sflag:s6] =	ssyncadd.s32 $0xFFFF3800  }
0x1e: {  	[hbm4b:s14+s2] =	stream.linear.scatter [tilespmem:s2], [sflag:$0x3], $0xC800, $0x38;
	[tilespmem:$0x19000] =	vst v63  }
0x1f: {  	_ =	swait.ge [sflag:s8], $0xC800  }
0x20: {  	s18 =	sadd.s32 $0xC8000, s23;
	[sflag:s8] =	ssyncset.done $0x0  }
0x21: {  	s15 =	sadd.s32 s22, s18;
	[sflag:s8] =	ssyncadd.s32 $0xFFFF3800  }
0x22: {  	[tilespmem:s2], [sflag:$0x1] =	stream.linear.gather [hbm4b:s15+s2], $0xC800, $0x38;
	[tilespmem:$0x19000] =	vst v63  }
0x23: {  	_ =	swait.ge [sflag:s10], $0xC800  }
0x24: {  	[sflag:s10] =	ssyncset.done $0x0  }
0x25: {  	s16 =	sadd.s32 s25, s16;
	[sflag:s10] =	ssyncadd.s32 $0xFFFF3800  }
0x26: {  	[hbm4b:s16+s2] =	stream.linear.scatter [tilespmem:s5], [sflag:$0x4], $0xC800, $0x38;
	[tilespmem:$0x19000] =	vst v63  }
0x27: {  	_ =	swait.ge [sflag:s12], $0xC800  }
0x28: {  	s20 =	sadd.s32 $0xFA000, s23;
	[sflag:s12] =	ssyncset.done $0x0  }
0x29: {  	s17 =	sadd.s32 s22, s20;
	[sflag:s12] =	ssyncadd.s32 $0xFFFF3800  }
0x2a: {  	[tilespmem:s5], [sflag:$0x2] =	stream.linear.gather [hbm4b:s17+s2], $0xC800, $0x38;
	[tilespmem:$0x19000] =	vst v63  }
0x2b: {  	_ =	swait.ge [sflag:s6], $0xC800  }
0x2c: {  	[sflag:s6] =	ssyncset.done $0x0  }
0x2d: {  	s18 =	sadd.s32 s25, s18;
	[sflag:s6] =	ssyncadd.s32 $0xFFFF3800  }
0x2e: {  	[hbm4b:s18+s2] =	stream.linear.scatter [tilespmem:s2], [sflag:$0x3], $0xC800, $0x38;
	[tilespmem:$0x19000] =	vst v63  }
0x2f: {  	_ =	swait.ge [sflag:s8], $0xC800  }
0x30: {  	s21 =	sadd.s32 $0x12C000, s23;
	[sflag:s8] =	ssyncset.done $0x0  }
0x31: {  	s19 =	sadd.s32 s22, s21;
	[sflag:s8] =	ssyncadd.s32 $0xFFFF3800  }
0x32: {  	[tilespmem:s2], [sflag:$0x1] =	stream.linear.gather [hbm4b:s19+s2], $0xC800, $0x38;
	[tilespmem:$0x19000] =	vst v63  }
0x33: {  	_ =	swait.ge [sflag:s10], $0xC800  }
0x34: {  	[sflag:s10] =	ssyncset.done $0x0  }
0x35: {  	s20 =	sadd.s32 s25, s20;
	[sflag:s10] =	ssyncadd.s32 $0xFFFF3800  }
0x36: {  	[hbm4b:s20+s2] =	stream.linear.scatter [tilespmem:s5], [sflag:$0x4], $0xC800, $0x38;
	[tilespmem:$0x19000] =	vst v63  }
0x37: {  	_ =	swait.ge [sflag:s6], $0xC800  }
0x38: {  	[sflag:s6] =	ssyncset.done $0x0  }
0x39: {  	s21 =	sadd.s32 s25, s21;
	[sflag:s6] =	ssyncadd.s32 $0xFFFF3800  }
0x3a: {  	[hbm4b:s21+s2] =	stream.linear.scatter [tilespmem:s2], [sflag:$0x3], $0xC800, $0x38;
	[tilespmem:$0x19000] =	vst v63  }
0x3b: {  	s28 =	ssub.s32 $0x2, s24;
	_ =	swait.ge [sflag:s12], $0xC800  }
0x3c: {  	s29 =	sshrl.u32 s28, $0x1;
	[sflag:s12] =	ssyncset.done $0x0  }
0x3d: {  	p0 =	sgt.u32 s0, $0xC;
	s28 =	ssub.s32 s28, s29;
	[sflag:s12] =	ssyncadd.s32 $0xFFFF3800  }
0x3e: {  	s24 =	simm.s32 @!p0 $0x1;
	s31 =	smax.u32 s28, $0x1;
	_ =	swait.ge [sflag:s8], $0xC800  }
0x3f: {  	s26 =	sadd.s32 $0x15E000, s23;
	s23 =	simm.s32 @!p0 $0x0;
	[sflag:s8] =	ssyncset.done $0x0  }
0x40: {  	s28 =	sadd.s32 $0xFFFFFFFF, s31;
	s22 =	sadd.s32 s22, s26;
	[sflag:s8] =	ssyncadd.s32 $0xFFFF3800  }
0x41: {  	[tilespmem:s23], [sflag:$0x1] =	stream.linear.gather @!p0 [hbm4b:s22+s23], $0xC800, $0x38;
	[tilespmem:$0x19000] =	vst v63  }
0x42: {  	p1 =	sne.s32 s28, $0x0;
	_ =	swait.ge @!p0 [sflag:s24], $0xC800  }
.Ltmp0:
0x43: {  	[sflag:s24] =	ssyncset.done @!p0 $0x0;
	(pc) =	sbr.rel @!p1 .LBB2_2-.Ltmp0, $4  }
0x44: {  	s25 =	sadd.s32 s25, s26;
	s26 =	simm.s32 @!p0 $0x3;
	[sflag:s24] =	ssyncadd.s32 @!p0 $0xFFFF3800  }
0x45: {  	[hbm4b:s25+s23] =	stream.linear.scatter @!p0 [tilespmem:s23], [sflag:$0x3], $0xC800, $0x38;
	[tilespmem:$0x19000] =	vst v63  }
0x46: {  	_ =	swait.ge @!p0 [sflag:s26], $0xC800  }
0x47: {  	[sflag:s26] =	ssyncset.done @!p0 $0x0  }
.LBB2_1:
0x48: {  	s28 =	sadd.s32 $0xFFFFFFFF, s28;
	[sflag:s26] =	ssyncadd.s32 @!p0 $0xFFFF3800  }
0x49: {  	[tilespmem:s2], [sflag:$0x1] =	stream.linear.gather [hbm4b:s3+s2], $0xC800, $0x38;
	[tilespmem:$0x19000] =	vst v63  }
0x4a: {  	p1 =	sne.s32 s28, $0x0  }
0x4b: {  	[tilespmem:s5], [sflag:$0x2] =	stream.linear.gather [hbm4b:s4+s2], $0xC800, $0x38;
	[tilespmem:$0x19000] =	vst v63  }
0x4c: {  	_ =	swait.ge [sflag:s6], $0xC800  }
0x4d: {  	[sflag:s6] =	ssyncset.done $0x0  }
0x4e: {  	[sflag:s6] =	ssyncadd.s32 $0xFFFF3800  }
0x4f: {  	[hbm4b:s7+s2] =	stream.linear.scatter [tilespmem:s2], [sflag:$0x3], $0xC800, $0x38;
	[tilespmem:$0x19000] =	vst v63  }
0x50: {  	_ =	swait.ge [sflag:s8], $0xC800  }
0x51: {  	[sflag:s8] =	ssyncset.done $0x0  }
0x52: {  	[sflag:s8] =	ssyncadd.s32 $0xFFFF3800  }
0x53: {  	[tilespmem:s2], [sflag:$0x1] =	stream.linear.gather [hbm4b:s9+s2], $0xC800, $0x38;
	[tilespmem:$0x19000] =	vst v63  }
0x54: {  	_ =	swait.ge [sflag:s10], $0xC800  }
0x55: {  	[sflag:s10] =	ssyncset.done $0x0  }
0x56: {  	[sflag:s10] =	ssyncadd.s32 $0xFFFF3800  }
0x57: {  	[hbm4b:s11+s2] =	stream.linear.scatter [tilespmem:s5], [sflag:$0x4], $0xC800, $0x38;
	[tilespmem:$0x19000] =	vst v63  }
0x58: {  	_ =	swait.ge [sflag:s12], $0xC800  }
0x59: {  	[sflag:s12] =	ssyncset.done $0x0  }
0x5a: {  	[sflag:s12] =	ssyncadd.s32 $0xFFFF3800  }
0x5b: {  	[tilespmem:s5], [sflag:$0x2] =	stream.linear.gather [hbm4b:s13+s2], $0xC800, $0x38;
	[tilespmem:$0x19000] =	vst v63  }
0x5c: {  	_ =	swait.ge [sflag:s6], $0xC800  }
0x5d: {  	[sflag:s6] =	ssyncset.done $0x0  }
0x5e: {  	[sflag:s6] =	ssyncadd.s32 $0xFFFF3800  }
0x5f: {  	[hbm4b:s14+s2] =	stream.linear.scatter [tilespmem:s2], [sflag:$0x3], $0xC800, $0x38;
	[tilespmem:$0x19000] =	vst v63  }
0x60: {  	_ =	swait.ge [sflag:s8], $0xC800  }
0x61: {  	[sflag:s8] =	ssyncset.done $0x0  }
0x62: {  	[sflag:s8] =	ssyncadd.s32 $0xFFFF3800  }
0x63: {  	[tilespmem:s2], [sflag:$0x1] =	stream.linear.gather [hbm4b:s15+s2], $0xC800, $0x38;
	[tilespmem:$0x19000] =	vst v63  }
0x64: {  	_ =	swait.ge [sflag:s10], $0xC800  }
0x65: {  	[sflag:s10] =	ssyncset.done $0x0  }
0x66: {  	[sflag:s10] =	ssyncadd.s32 $0xFFFF3800  }
0x67: {  	[hbm4b:s16+s2] =	stream.linear.scatter [tilespmem:s5], [sflag:$0x4], $0xC800, $0x38;
	[tilespmem:$0x19000] =	vst v63  }
0x68: {  	_ =	swait.ge [sflag:s12], $0xC800  }
0x69: {  	[sflag:s12] =	ssyncset.done $0x0  }
0x6a: {  	[sflag:s12] =	ssyncadd.s32 $0xFFFF3800  }
0x6b: {  	[tilespmem:s5], [sflag:$0x2] =	stream.linear.gather [hbm4b:s17+s2], $0xC800, $0x38;
	[tilespmem:$0x19000] =	vst v63  }
0x6c: {  	_ =	swait.ge [sflag:s6], $0xC800  }
0x6d: {  	[sflag:s6] =	ssyncset.done $0x0  }
0x6e: {  	[sflag:s6] =	ssyncadd.s32 $0xFFFF3800  }
0x6f: {  	[hbm4b:s18+s2] =	stream.linear.scatter [tilespmem:s2], [sflag:$0x3], $0xC800, $0x38;
	[tilespmem:$0x19000] =	vst v63  }
0x70: {  	_ =	swait.ge [sflag:s8], $0xC800  }
0x71: {  	[sflag:s8] =	ssyncset.done $0x0  }
0x72: {  	[sflag:s8] =	ssyncadd.s32 $0xFFFF3800  }
0x73: {  	[tilespmem:s2], [sflag:$0x1] =	stream.linear.gather [hbm4b:s19+s2], $0xC800, $0x38;
	[tilespmem:$0x19000] =	vst v63  }
0x74: {  	_ =	swait.ge [sflag:s10], $0xC800  }
0x75: {  	[sflag:s10] =	ssyncset.done $0x0  }
0x76: {  	[sflag:s10] =	ssyncadd.s32 $0xFFFF3800  }
0x77: {  	[hbm4b:s20+s2] =	stream.linear.scatter [tilespmem:s5], [sflag:$0x4], $0xC800, $0x38;
	[tilespmem:$0x19000] =	vst v63  }
0x78: {  	_ =	swait.ge [sflag:s6], $0xC800  }
0x79: {  	[sflag:s6] =	ssyncset.done $0x0  }
0x7a: {  	[sflag:s6] =	ssyncadd.s32 $0xFFFF3800  }
0x7b: {  	[hbm4b:s21+s2] =	stream.linear.scatter [tilespmem:s2], [sflag:$0x3], $0xC800, $0x38;
	[tilespmem:$0x19000] =	vst v63  }
0x7c: {  	_ =	swait.ge [sflag:s12], $0xC800  }
0x7d: {  	[sflag:s12] =	ssyncset.done $0x0  }
0x7e: {  	[sflag:s12] =	ssyncadd.s32 $0xFFFF3800  }
0x7f: {  	_ =	swait.ge [sflag:s8], $0xC800  }
0x80: {  	[sflag:s8] =	ssyncset.done $0x0  }
0x81: {  	[sflag:s8] =	ssyncadd.s32 $0xFFFF3800  }
0x82: {  	[tilespmem:s23], [sflag:$0x1] =	stream.linear.gather @!p0 [hbm4b:s22+s23], $0xC800, $0x38;
	[tilespmem:$0x19000] =	vst v63  }
0x83: {  	_ =	swait.ge @!p0 [sflag:s24], $0xC800  }
.Ltmp1:
0x84: {  	[sflag:s24] =	ssyncset.done @!p0 $0x0;
	(pc) =	sbr.rel @p1 .LBB2_1-.Ltmp1, $4  }
0x85: {  	[sflag:s24] =	ssyncadd.s32 @!p0 $0xFFFF3800  }
0x86: {  	[hbm4b:s25+s23] =	stream.linear.scatter @!p0 [tilespmem:s23], [sflag:$0x3], $0xC800, $0x38;
	[tilespmem:$0x19000] =	vst v63  }
0x87: {  	_ =	swait.ge @!p0 [sflag:s26], $0xC800  }
0x88: {  	[sflag:s26] =	ssyncset.done @!p0 $0x0  }
.LBB2_2:
0x89: {  	[sflag:s26] =	ssyncadd.s32 @!p0 $0xFFFF3800  }
0x8a: {  	_ =	sfence.sel $0x180000  }
0x8b: {  	[bflag:$0x0] =	sbarrier.arrive $0xFFFF  }
0x8c: {  	p0 =	sne.s32 s0, $0x0;
	_ =	strace $0x90000047  }
0x8d: {  	s0 =	sadd.s32 @!p0 $0x100000, s1;
	[bflag:$0x2] =	sbarrier.arrive $0xFFFF  }
0x8e: {  	[sflag:s0] =	ssyncadd.tile.s32 @!p0 $0x1;
	_ =	shalt  }
.Lfunc_end2:
_tile_overlayer_lowered:
.L_overlay_start_2:
0x8f: {  	(tag) =	ssettag $0x2  }
0x90: {  	s0 =	rddreg [dreg:$0x0];
	s2 =	stileid.u32  }
0x91: {  	s1 =	rddreg [dreg:$0x1];
	p0 =	sne.s32 s2, $0x0  }
0x92: {  	s3 =	rddreg [dreg:$0x2];
	[bflag:$0x3] =	sbarrier.arrive $0xFFFF;
	s2 =	simm.s32 @!p0 $0x1C05  }
0x93: {  	[timem:s3], [sflag:s2] =	dma.local @!p0 [hbm:s0], s1  }
0x94: {  	s0 =	simm.s32 @!p0 $0x5  }
0x95: {  	_ =	swait.ge @!p0 [sflag:s0], s1  }
0x96: {  	s1 =	ssub.s32 @!p0 $0x0, s1;
	[sflag:s0] =	ssyncset.done @!p0 $0x0  }
0x97: {  	[sflag:s0] =	ssyncadd.s32 @!p0 s1  }
0x98: {  	[bflag:$0x3] =	sbarrier.arrive $0xFFFF  }
0x99: {  	_ =	shalt  }

</sc_bundles>
